<compile_context>
chip_gen: v7x
topology: tpu7x:2x2x1
jax: 0.10.2.dev20260603
libtpu: 0.0.44.dev20260713+nightly
codegen_flags: <defaults>
</compile_context>

<pallas_src>
import jax
import jax.numpy as jnp
from jax import lax
from jax.experimental import pallas as pl
from jax.experimental.pallas import tpu as pltpu
from jax.experimental.pallas import tpu_sc as plsc

N = 10000
E = 320000
TOPO_IN = 128
HID = 256
Z = 128
HALF = 128

NC = 2
NS = 16
CHUNK = 80
NPAD = 10240

EPT_DEG = E // (NC * NS)
NCH_DEG = EPT_DEG // CHUNK
EPT = E // NS
NCH = EPT // CHUNK
NSB = 5
NCHB = NCH // NSB
RPAD_PT = NPAD // NS

_MESH = plsc.VectorSubcoreMesh(core_axis_name="c", subcore_axis_name="s")


def _zero_f32(ref, nwords):
  def body(i, _):
    ref[pl.ds(i * 16, 16)] = jnp.zeros((16,), jnp.float32)
    return 0
  lax.fori_loop(0, nwords // 16, body, 0, unroll=4)


def _zero_f32_2d(ref, nrows, ncols):
  def body(i, _):
    for k in range(ncols // 16):
      ref[i, pl.ds(k * 16, 16)] = jnp.zeros((16,), jnp.float32)
    return 0
  lax.fori_loop(0, nrows, body, 0)



def _deg_body(dst3_hbm, deg_out, dstb, ones_v, zb, deg_sp):
  c = lax.axis_index("c")
  s = lax.axis_index("s")
  wid = c * NS + s
  pltpu.sync_copy(dst3_hbm.at[wid], dstb)
  def fill(i, _):
    ones_v[pl.ds(i * 16, 16)] = jnp.ones((16,), jnp.float32)
    return 0
  lax.fori_loop(0, CHUNK // 16, fill, 0)
  _zero_f32(zb, NPAD // NS)
  pltpu.sync_copy(zb, deg_sp.at[pl.ds(s * (NPAD // NS), NPAD // NS)])
  plsc.subcore_barrier()
  def body(j, _):
    pltpu.sync_copy(ones_v, deg_sp.at[dstb.at[j]], add=True)
    return 0
  lax.fori_loop(0, NCH_DEG, body, 0)
  plsc.subcore_barrier()
  pltpu.sync_copy(deg_sp.at[pl.ds(s * (NPAD // NS), NPAD // NS)],
                  deg_out.at[pl.ds(c * NPAD + s * (NPAD // NS), NPAD // NS)])


@jax.jit
def _sc_degree(dst3d):
  return pl.kernel(
      _deg_body,
      out_type=jax.ShapeDtypeStruct((NC * NPAD,), jnp.float32),
      mesh=_MESH,
      scratch_types=[
          pltpu.VMEM((NCH_DEG, CHUNK), jnp.int32),
          pltpu.VMEM((CHUNK,), jnp.float32),
          pltpu.VMEM((NPAD // NS,), jnp.float32),
          pltpu.VMEM_SHARED((NPAD,), jnp.float32),
      ],
  )(dst3d)



NB = 3


def _spmv_body(g_hbm, src4_hbm, dst4_hbm, out_hbm, srcb, dstb, rows, acc_sp,
               sg0, sg1, sg2, ss0, ss1, ss2):
  sg = [sg0, sg1, sg2]
  ss = [ss0, ss1, ss2]
  c = lax.axis_index("c")
  s = lax.axis_index("s")
  cN = c * N
  _zero_f32_2d(rows.at[0], CHUNK, HALF)
  for q in range(RPAD_PT // CHUNK):
    pltpu.sync_copy(rows.at[0],
                    acc_sp.at[pl.ds(s * RPAD_PT + q * CHUNK, CHUNK)])
  plsc.subcore_barrier()

  def gstart(j, b):
    pltpu.async_copy(g_hbm.at[srcb.at[j]], rows.at[b], sg[b])

  def gwait(j, b):
    pltpu.make_async_copy(g_hbm.at[srcb.at[j]], rows.at[b], sg[b]).wait()

  def sstart(j, b):
    pltpu.async_copy(rows.at[b], acc_sp.at[dstb.at[j]], ss[b], add=True)

  def swait(j, b):
    pltpu.make_async_copy(rows.at[b], acc_sp.at[dstb.at[j]], ss[b]).wait()

  def super_block(sb, _):
    pltpu.sync_copy(src4_hbm.at[s, sb], srcb)
    pltpu.sync_copy(dst4_hbm.at[s, sb], dstb)
    def bias(j, _):
      for k in range(CHUNK // 16):
        v = srcb[j, pl.ds(k * 16, 16)]
        srcb[j, pl.ds(k * 16, 16)] = v + cN
      return 0
    lax.fori_loop(0, NCHB, bias, 0)
    for b in range(NB):
      gstart(b, b)
    def group(jg, _):
      j = NB * jg
      for b in range(NB):
        gwait(j + b, b)
        sstart(j + b, b)
      for b in range(NB):
        swait(j + b, b)
        gstart(j + b + NB, b)
      return 0
    lax.fori_loop(0, NCHB // NB - 1, group, 0)
    jt = NB * (NCHB // NB - 1)
    for b in range(NB):
      gwait(jt + b, b)
      sstart(jt + b, b)
    for b in range(NCHB - jt - NB):
      swait(jt + b, b)
      gstart(jt + NB + b, b)
    for b in range(NCHB - jt - NB):
      gwait(jt + NB + b, b)
      sstart(jt + NB + b, b)
    for b in range(NCHB - jt - NB, NB):
      swait(jt + b, b)
    for b in range(NCHB - jt - NB):
      swait(jt + NB + b, b)
    return 0

  lax.fori_loop(0, NSB, super_block, 0)
  plsc.subcore_barrier()
  for q in range(RPAD_PT // CHUNK):
    pltpu.sync_copy(acc_sp.at[pl.ds(s * RPAD_PT + q * CHUNK, CHUNK)],
                    out_hbm.at[pl.ds(c * NPAD + s * RPAD_PT + q * CHUNK, CHUNK)])


@jax.jit
def _sc_spmv(g2n, src3d, dst3d):
  return pl.kernel(
      _spmv_body,
      out_type=jax.ShapeDtypeStruct((NC * NPAD, HALF), jnp.float32),
      mesh=_MESH,
      scratch_types=[
          pltpu.VMEM((NCHB, CHUNK), jnp.int32),
          pltpu.VMEM((NCHB, CHUNK), jnp.int32),
          pltpu.VMEM((NB, CHUNK, HALF), jnp.float32),
          pltpu.VMEM_SHARED((NPAD, HALF), jnp.float32),
      ] + [pltpu.SemaphoreType.DMA] * (2 * NB),
  )(g2n, src3d, dst3d)



RB = 2000
NRB = N // RB


def _tc_g1_body(x_ref, w_ref, dinv_ref, out_ref):
  t = jnp.dot(x_ref[...], w_ref[...], preferred_element_type=jnp.float32)
  out_ref[0] = t[:, :HALF] * dinv_ref[...]
  out_ref[1] = t[:, HALF:] * dinv_ref[...]


@jax.jit
def _tc_g1(x, w1, dinv):
  return pl.pallas_call(
      _tc_g1_body,
      grid=(NRB,),
      in_specs=[
          pl.BlockSpec((RB, TOPO_IN), lambda i: (i, 0)),
          pl.BlockSpec((TOPO_IN, HID), lambda i: (0, 0)),
          pl.BlockSpec((RB, 1), lambda i: (i, 0)),
      ],
      out_specs=pl.BlockSpec((NC, RB, HALF), lambda i: (0, i, 0)),
      out_shape=jax.ShapeDtypeStruct((NC, N, HALF), jnp.float32),
  )(x, w1, dinv)


def _tc_g2_body(acc_ref, g_ref, dinv_ref, b_ref, w_ref, out_ref):
  conv = jnp.concatenate(
      [acc_ref[0] + g_ref[0], acc_ref[1] + g_ref[1]], axis=1)
  h1 = jnp.maximum(dinv_ref[...] * conv + b_ref[...], 0.0)
  t = jnp.dot(h1, w_ref[...], preferred_element_type=jnp.float32)
  out_ref[0] = t[:, :HALF] * dinv_ref[...]
  out_ref[1] = t[:, HALF:] * dinv_ref[...]


@jax.jit
def _tc_g2(acc1, g1, dinv, b1, w2):
  return pl.pallas_call(
      _tc_g2_body,
      grid=(NRB,),
      in_specs=[
          pl.BlockSpec((NC, RB, HALF), lambda i: (0, i, 0)),
          pl.BlockSpec((NC, RB, HALF), lambda i: (0, i, 0)),
          pl.BlockSpec((RB, 1), lambda i: (i, 0)),
          pl.BlockSpec((HID,), lambda i: (0,)),
          pl.BlockSpec((HID, HID), lambda i: (0, 0)),
      ],
      out_specs=pl.BlockSpec((NC, RB, HALF), lambda i: (0, i, 0)),
      out_shape=jax.ShapeDtypeStruct((NC, N, HALF), jnp.float32),
  )(acc1, g1, dinv, b1, w2)


def _tc_topo_final_body(acc_ref, g_ref, dinv_ref, b2_ref, w_ref, bb_ref,
                        s_ref, st_s_ref,
                        tg_ref, tb_ref, tw_ref, tb2_ref,
                        sg_ref, sb_ref, sw_ref, sb2_ref,
                        zt_ref, zs_ref, t_scr, st_scr):
  p = pl.program_id(0)
  i = pl.program_id(1)

  @pl.when(p == 0)
  def _():
    conv = jnp.concatenate(
        [acc_ref[0] + g_ref[0], acc_ref[1] + g_ref[1]], axis=1)
    ht = dinv_ref[...] * conv + b2_ref[...]
    t = jnp.dot(ht, w_ref[...],
                preferred_element_type=jnp.float32) + bb_ref[...]
    t_scr[pl.ds(i * RB, RB), :] = t
    part = jnp.concatenate([jnp.sum(t, axis=0, keepdims=True),
                            jnp.sum(t * t, axis=0, keepdims=True)], axis=0)

    @pl.when(i == 0)
    def _():
      st_scr[...] = part

    @pl.when(i > 0)
    def _():
      st_scr[...] += part

  @pl.when(p == 1)
  def _():
    zt_ref[...] = _bn_head(t_scr[pl.ds(i * RB, RB), :], st_scr[...],
                           tg_ref[...], tb_ref[...], tw_ref[...], tb2_ref[...])
    zs_ref[...] = _bn_head(s_ref[...], st_s_ref[...],
                           sg_ref[...], sb_ref[...], sw_ref[...], sb2_ref[...])


@jax.jit
def _tc_topo_final(acc2, g2, dinv, b2, mw1, mb1, s_pre, st_s,
                   mt_g, mt_be, mt_w2, mt_b2, ms_g, ms_be, ms_w2, ms_b2):
  vec = lambda d: pl.BlockSpec((d,), lambda p, i: (0,))
  return pl.pallas_call(
      _tc_topo_final_body,
      grid=(2, NRB),
      in_specs=[
          pl.BlockSpec((NC, RB, HALF), lambda p, i: (0, i, 0)),
          pl.BlockSpec((NC, RB, HALF), lambda p, i: (0, i, 0)),
          pl.BlockSpec((RB, 1), lambda p, i: (i, 0)),
          pl.BlockSpec((HID,), lambda p, i: (0,)),
          pl.BlockSpec((HID, HID), lambda p, i: (0, 0)),
          pl.BlockSpec((HID,), lambda p, i: (0,)),
          pl.BlockSpec((RB, HID), lambda p, i: (i, 0)),
          pl.BlockSpec((2, HID), lambda p, i: (0, 0)),
          vec(HID), vec(HID),
          pl.BlockSpec((HID, Z), lambda p, i: (0, 0)), vec(Z),
          vec(HID), vec(HID),
          pl.BlockSpec((HID, Z), lambda p, i: (0, 0)), vec(Z),
      ],
      out_specs=[
          pl.BlockSpec((RB, Z), lambda p, i: (i, 0)),
          pl.BlockSpec((RB, Z), lambda p, i: (i, 0)),
      ],
      out_shape=[
          jax.ShapeDtypeStruct((N, Z), jnp.float32),
          jax.ShapeDtypeStruct((N, Z), jnp.float32),
      ],
      scratch_shapes=[
          pltpu.VMEM((N, HID), jnp.float32),
          pltpu.VMEM((2, HID), jnp.float32),
      ],
  )(acc2, g2, dinv, b2, mw1, mb1, s_pre, st_s,
    mt_g, mt_be, mt_w2, mt_b2, ms_g, ms_be, ms_w2, ms_b2)


def _tc_sem_pre_body(x_ref, w_ref, b_ref, t_ref, st_ref):
  i = pl.program_id(0)
  t = jnp.dot(x_ref[...], w_ref[...],
              preferred_element_type=jnp.float32) + b_ref[...]
  t_ref[...] = t
  part = jnp.concatenate([jnp.sum(t, axis=0, keepdims=True),
                          jnp.sum(t * t, axis=0, keepdims=True)], axis=0)

  @pl.when(i == 0)
  def _():
    st_ref[...] = part

  @pl.when(i > 0)
  def _():
    st_ref[...] += part


@jax.jit
def _tc_sem_pre(h_sem, mw1, mb1):
  return pl.pallas_call(
      _tc_sem_pre_body,
      grid=(NRB,),
      in_specs=[
          pl.BlockSpec((RB, HID), lambda i: (i, 0)),
          pl.BlockSpec((HID, HID), lambda i: (0, 0)),
          pl.BlockSpec((HID,), lambda i: (0,)),
      ],
      out_specs=[
          pl.BlockSpec((RB, HID), lambda i: (i, 0)),
          pl.BlockSpec((2, HID), lambda i: (0, 0)),
      ],
      out_shape=[
          jax.ShapeDtypeStruct((N, HID), jnp.float32),
          jax.ShapeDtypeStruct((2, HID), jnp.float32),
      ],
  )(h_sem, mw1, mb1)


def _bn_head(t, st, gamma, beta, w2, b2):
  mean = st[0] / N
  var = st[1] / N - mean * mean
  xh = gamma * (t - mean) / jnp.sqrt(var + 1e-5) + beta
  xh = jnp.maximum(xh, 0.0)
  y = jnp.dot(xh, w2, preferred_element_type=jnp.float32) + b2
  nrm = jnp.sqrt(jnp.sum(y * y, axis=1, keepdims=True))
  return y / jnp.maximum(nrm, 1e-12)





def kernel(x_topo, edge_index, h_sem, W1, b1, W2, b2,
           mt_w1, mt_b1, mt_g, mt_be, mt_w2, mt_b2,
           ms_w1, ms_b1, ms_g, ms_be, ms_w2, ms_b2):
  src3d = edge_index[0].reshape(NS, NSB, NCHB, CHUNK)
  dst3d = edge_index[1].reshape(NS, NSB, NCHB, CHUNK)
  dst3d_deg = edge_index[1].reshape(NC * NS, NCH_DEG, CHUNK)

  deg_parts = _sc_degree(dst3d_deg)
  deg = deg_parts[:N] + deg_parts[NPAD:NPAD + N] + 1.0
  dinv = lax.rsqrt(jnp.maximum(deg, 1.0))[:, None]

  s_pre, st_s = _tc_sem_pre(h_sem, ms_w1, ms_b1)

  g1 = _tc_g1(x_topo, W1, dinv)
  acc1 = _sc_spmv(g1.reshape(2 * N, HALF), src3d, dst3d)
  g2 = _tc_g2(acc1.reshape(NC, NPAD, HALF), g1,
              dinv, b1, W2)
  acc2 = _sc_spmv(g2.reshape(2 * N, HALF), src3d, dst3d)
  z_topo, z_sem = _tc_topo_final(acc2.reshape(NC, NPAD, HALF), g2, dinv, b2,
                                 mt_w1, mt_b1, s_pre, st_s,
                                 mt_g, mt_be, mt_w2, mt_b2,
                                 ms_g, ms_be, ms_w2, ms_b2)
  return (z_topo, z_sem)

# --- scband reference (transcript-rebuilt; emitter-appended) ---
"""Pipeline reference for scband-dual-stream-ooddetector-1941325218194 (READ-ONLY COPY).

The authoritative reference and input builder live on the scoring server;
editing this copy changes nothing except your own understanding.
"""

import jax, jax.numpy as jnp
import numpy as np

N = 10000
E = 320000
TOPO_IN = 128
SEM_IN = 256
HID = 256
Z = 128


def setup_inputs(seed: int = 0):
    key = jax.random.key(seed)
    ks = jax.random.split(key, 24)
    inp = {}
    inp['x_topo'] = jax.random.normal(ks[0], (N, TOPO_IN), dtype=jnp.float32)
    inp['edge_index'] = jax.random.randint(ks[1], (2, E), 0, N, dtype=jnp.int32)
    inp['h_sem'] = jax.random.normal(ks[2], (N, SEM_IN), dtype=jnp.float32)
    # GCN conv params
    inp['W1'] = jax.random.normal(ks[3], (TOPO_IN, HID), dtype=jnp.float32) * 0.05
    inp['b1'] = jnp.zeros((HID,), dtype=jnp.float32)
    inp['W2'] = jax.random.normal(ks[4], (HID, HID), dtype=jnp.float32) * 0.05
    inp['b2'] = jnp.zeros((HID,), dtype=jnp.float32)
    # mlp_topo: Linear(HID,HID) -> BN(HID) -> ReLU -> Linear(HID,Z)
    inp['mt_w1'] = jax.random.normal(ks[5], (HID, HID), dtype=jnp.float32) * 0.05
    inp['mt_b1'] = jnp.zeros((HID,), dtype=jnp.float32)
    inp['mt_g'] = jnp.ones((HID,), dtype=jnp.float32)
    inp['mt_be'] = jnp.zeros((HID,), dtype=jnp.float32)
    inp['mt_w2'] = jax.random.normal(ks[6], (HID, Z), dtype=jnp.float32) * 0.05
    inp['mt_b2'] = jnp.zeros((Z,), dtype=jnp.float32)
    # mlp_sem: Linear(SEM_IN,HID) -> BN(HID) -> ReLU -> Linear(HID,Z)
    inp['ms_w1'] = jax.random.normal(ks[7], (SEM_IN, HID), dtype=jnp.float32) * 0.05
    inp['ms_b1'] = jnp.zeros((HID,), dtype=jnp.float32)
    inp['ms_g'] = jnp.ones((HID,), dtype=jnp.float32)
    inp['ms_be'] = jnp.zeros((HID,), dtype=jnp.float32)
    inp['ms_w2'] = jax.random.normal(ks[8], (HID, Z), dtype=jnp.float32) * 0.05
    inp['ms_b2'] = jnp.zeros((Z,), dtype=jnp.float32)
    return inp


def gcn_conv(x, edge_index, W, b):
    src = edge_index[0]
    dst = edge_index[1]
    loop = jnp.arange(N, dtype=src.dtype)
    src = jnp.concatenate([src, loop])
    dst = jnp.concatenate([dst, loop])
    deg = jnp.zeros((N,), dtype=x.dtype).at[dst].add(1.0)
    dinv = jax.lax.rsqrt(jnp.maximum(deg, 1.0))
    norm = dinv[src] * dinv[dst]
    h = x @ W
    msgs = h[src] * norm[:, None]
    out = jnp.zeros((N, W.shape[1]), dtype=x.dtype).at[dst].add(msgs)
    return out + b


def batchnorm(x, gamma, beta, eps=1e-5):
    m = jnp.mean(x, axis=0)
    v = jnp.var(x, axis=0)
    return gamma * (x - m) / jnp.sqrt(v + eps) + beta


def l2_normalize(x, eps=1e-12):
    n = jnp.linalg.norm(x, ord=2, axis=1, keepdims=True)
    return x / jnp.maximum(n, eps)


def reference(x_topo, edge_index, h_sem, W1, b1, W2, b2, mt_w1, mt_b1, mt_g, mt_be, mt_w2, mt_b2, ms_w1, ms_b1, ms_g, ms_be, ms_w2, ms_b2):
    h_topo = jax.nn.relu(gcn_conv(x_topo, edge_index, W1, b1))
    h_topo = gcn_conv(h_topo, edge_index, W2, b2)
    t = h_topo @ mt_w1 + mt_b1
    t = jax.nn.relu(batchnorm(t, mt_g, mt_be))
    z_topo = l2_normalize(t @ mt_w2 + mt_b2)
    s = h_sem @ ms_w1 + ms_b1
    s = jax.nn.relu(batchnorm(s, ms_g, ms_be))
    z_sem = l2_normalize(s @ ms_w2 + ms_b2)
    return (z_topo, z_sem)

if __name__ == "__main__":
    import jax
    _d = setup_inputs()
    print(jax.jit(kernel)(*tuple(_d.values())))

</pallas_src>

<mosaic_0001>
#map = affine_map<(d0, d1) -> (0, 0, 0)>
#map1 = affine_map<(d0, d1) -> (0)>
module attributes {stable_mosaic.version = 14 : i64} {
  func.func @_deg_body(%arg0: i32, %arg1: i32, %arg2: memref<32x125x80xi32, #tpu.memory_space<hbm>>, %arg3: memref<20480xf32, #tpu.memory_space<hbm>>, %arg4: memref<125x80xi32, #tpu.memory_space<vmem>>, %arg5: memref<80xf32, #tpu.memory_space<vmem>>, %arg6: memref<640xf32, #tpu.memory_space<vmem>>, %arg7: memref<10240xf32, #tpu.memory_space<vmem_shared>>) attributes {dimension_semantics = [#tpu.dimension_semantics<core_parallel>, #tpu.dimension_semantics<subcore_parallel>], iteration_bounds = array<i64: 2, 16>, scalar_prefetch = 0 : i64, scratch_operands = 4 : i64, tpu.core_type = #tpu.core_type<sc_vector_subcore>, window_params = [{transform_indices = #map}, {transform_indices = #map1}]} {
    %mul3A = arith.constant 16 : i32
    %mul3A_0 = arith.muli %arg0, %mul3A : i32
    %add3A = arith.addi %mul3A_0, %arg1 : i32
    "tpu.region"() ({
      %run_scoped3A = tpu.sem_alloc : memref<!tpu.dma_semaphore, #tpu.memory_space<semaphore_mem>>
      %dma_start3A = arith.constant 0 : i32
      %dma_start3A_31 = arith.constant 0 : i32
      %dma_start3A_32 = tpu.memref_slice %arg2[%add3A, %dma_start3A, %dma_start3A_31] : memref<32x125x80xi32, #tpu.memory_space<hbm>> -> memref<1x125x80xi32, #tpu.memory_space<hbm>>
      %dma_start3A_33 = tpu.memref_squeeze %dma_start3A_32 : memref<1x125x80xi32, #tpu.memory_space<hbm>> -> memref<125x80xi32, #tpu.memory_space<hbm>>
      %dma_start3A_34 = arith.constant 0 : i32
      %dma_start3A_35 = arith.constant 0 : i32
      %dma_start3A_36 = tpu.memref_slice %arg2[%add3A, %dma_start3A_34, %dma_start3A_35] : memref<32x125x80xi32, #tpu.memory_space<hbm>> -> memref<1x125x80xi32, #tpu.memory_space<hbm>>
      %dma_start3A_37 = tpu.memref_squeeze %dma_start3A_36 : memref<1x125x80xi32, #tpu.memory_space<hbm>> -> memref<125x80xi32, #tpu.memory_space<hbm>>
      tpu.enqueue_dma source(%dma_start3A_37 : memref<125x80xi32, #tpu.memory_space<hbm>>) target(%arg4 : memref<125x80xi32, #tpu.memory_space<vmem>>) target_semaphore(%run_scoped3A : memref<!tpu.dma_semaphore, #tpu.memory_space<semaphore_mem>>)
      %dma_wait3A = arith.constant 0 : i32
      %dma_wait3A_38 = arith.constant 0 : i32
      %dma_wait3A_39 = tpu.memref_slice %arg2[%add3A, %dma_wait3A, %dma_wait3A_38] : memref<32x125x80xi32, #tpu.memory_space<hbm>> -> memref<1x125x80xi32, #tpu.memory_space<hbm>>
      %dma_wait3A_40 = tpu.memref_squeeze %dma_wait3A_39 : memref<1x125x80xi32, #tpu.memory_space<hbm>> -> memref<125x80xi32, #tpu.memory_space<hbm>>
      %dma_wait3A_41 = arith.constant 0 : i32
      %dma_wait3A_42 = arith.constant 0 : i32
      %dma_wait3A_43 = tpu.memref_slice %arg2[%add3A, %dma_wait3A_41, %dma_wait3A_42] : memref<32x125x80xi32, #tpu.memory_space<hbm>> -> memref<1x125x80xi32, #tpu.memory_space<hbm>>
      %dma_wait3A_44 = tpu.memref_squeeze %dma_wait3A_43 : memref<1x125x80xi32, #tpu.memory_space<hbm>> -> memref<125x80xi32, #tpu.memory_space<hbm>>
      tpu.wait_dma2 semaphore(%run_scoped3A : memref<!tpu.dma_semaphore, #tpu.memory_space<semaphore_mem>>) src(%dma_wait3A_44 : memref<125x80xi32, #tpu.memory_space<hbm>>) dst(%arg4 : memref<125x80xi32, #tpu.memory_space<vmem>>)
      tpu.yield
    }) : () -> ()
    %scan3A = arith.constant 0 : i32
    %scan3A_1 = arith.constant 0 : i32
    %scan3A_2 = arith.constant 5 : i32
    %scan3A_3 = arith.addi %scan3A_1, %scan3A_2 : i32
    %scan3A_4 = arith.constant 1 : i32
    %scan3A_5 = scf.for %scan3A_31 = %scan3A_1 to %scan3A_3 step %scan3A_4 iter_args(%scan3A_32 = %scan3A) -> (i32)  : i32 {
      %broadcast_in_dim3A = arith.constant 1.000000e+00 : f32
      %broadcast_in_dim3A_33 = vector.broadcast %broadcast_in_dim3A : f32 to vector<16xf32>
      %mul3A_34 = arith.constant 16 : i32
      %mul3A_35 = arith.muli %scan3A_31, %mul3A_34 : i32
      %swap3A = arith.index_cast %mul3A_35 : i32 to index
      %swap3A_36 = tpu.vector_load %arg5[%swap3A] {strides = array<i32>} : memref<80xf32, #tpu.memory_space<vmem>>, vector<16xf32>,
      %swap3A_37 = vector.shape_cast %swap3A_36 : vector<16xf32> to vector<16xf32>
      %swap3A_38 = vector.shape_cast %broadcast_in_dim3A_33 : vector<16xf32> to vector<16xf32>
      tpu.vector_store %arg5[%swap3A], %swap3A_38 {strides = array<i32>} : memref<80xf32, #tpu.memory_space<vmem>>, vector<16xf32>,
      %scan3A_39 = arith.constant 0 : i32
      scf.yield %scan3A_39 : i32
    }
    %scan3A_6 = arith.constant 5 : i32
    %scan3A_7 = arith.constant 0 : i32
    %scan3A_8 = arith.constant 0 : i32
    %scan3A_9 = arith.constant 40 : i32
    %scan3A_10 = arith.addi %scan3A_8, %scan3A_9 : i32
    %scan3A_11 = arith.constant 4 : i32
    %scan3A_12 = scf.for %scan3A_31 = %scan3A_8 to %scan3A_10 step %scan3A_11 iter_args(%scan3A_32 = %scan3A_7) -> (i32)  : i32 {
      %broadcast_in_dim3A = arith.constant 0.000000e+00 : f32
      %broadcast_in_dim3A_33 = vector.broadcast %broadcast_in_dim3A : f32 to vector<16xf32>
      %mul3A_34 = arith.constant 16 : i32
      %mul3A_35 = arith.muli %scan3A_31, %mul3A_34 : i32
      %swap3A = arith.index_cast %mul3A_35 : i32 to index
      %swap3A_36 = tpu.vector_load %arg6[%swap3A] {strides = array<i32>} : memref<640xf32, #tpu.memory_space<vmem>>, vector<16xf32>,
      %swap3A_37 = vector.shape_cast %swap3A_36 : vector<16xf32> to vector<16xf32>
      %swap3A_38 = vector.shape_cast %broadcast_in_dim3A_33 : vector<16xf32> to vector<16xf32>
      tpu.vector_store %arg6[%swap3A], %swap3A_38 {strides = array<i32>} : memref<640xf32, #tpu.memory_space<vmem>>, vector<16xf32>,
      %scan3A_39 = arith.constant 0 : i32
      %scan3A_40 = arith.constant 1 : i32
      %scan3A_41 = arith.addi %scan3A_31, %scan3A_40 : i32
      %broadcast_in_dim3A_42 = arith.constant 0.000000e+00 : f32
      %broadcast_in_dim3A_43 = vector.broadcast %broadcast_in_dim3A_42 : f32 to vector<16xf32>
      %mul3A_44 = arith.constant 16 : i32
      %mul3A_45 = arith.muli %scan3A_41, %mul3A_44 : i32
      %swap3A_46 = arith.index_cast %mul3A_45 : i32 to index
      %swap3A_47 = tpu.vector_load %arg6[%swap3A_46] {strides = array<i32>} : memref<640xf32, #tpu.memory_space<vmem>>, vector<16xf32>,
      %swap3A_48 = vector.shape_cast %swap3A_47 : vector<16xf32> to vector<16xf32>
      %swap3A_49 = vector.shape_cast %broadcast_in_dim3A_43 : vector<16xf32> to vector<16xf32>
      tpu.vector_store %arg6[%swap3A_46], %swap3A_49 {strides = array<i32>} : memref<640xf32, #tpu.memory_space<vmem>>, vector<16xf32>,
      %scan3A_50 = arith.constant 0 : i32
      %scan3A_51 = arith.constant 2 : i32
      %scan3A_52 = arith.addi %scan3A_31, %scan3A_51 : i32
      %broadcast_in_dim3A_53 = arith.constant 0.000000e+00 : f32
      %broadcast_in_dim3A_54 = vector.broadcast %broadcast_in_dim3A_53 : f32 to vector<16xf32>
      %mul3A_55 = arith.constant 16 : i32
      %mul3A_56 = arith.muli %scan3A_52, %mul3A_55 : i32
      %swap3A_57 = arith.index_cast %mul3A_56 : i32 to index
      %swap3A_58 = tpu.vector_load %arg6[%swap3A_57] {strides = array<i32>} : memref<640xf32, #tpu.memory_space<vmem>>, vector<16xf32>,
      %swap3A_59 = vector.shape_cast %swap3A_58 : vector<16xf32> to vector<16xf32>
      %swap3A_60 = vector.shape_cast %broadcast_in_dim3A_54 : vector<16xf32> to vector<16xf32>
      tpu.vector_store %arg6[%swap3A_57], %swap3A_60 {strides = array<i32>} : memref<640xf32, #tpu.memory_space<vmem>>, vector<16xf32>,
      %scan3A_61 = arith.constant 0 : i32
      %scan3A_62 = arith.constant 3 : i32
      %scan3A_63 = arith.addi %scan3A_31, %scan3A_62 : i32
      %broadcast_in_dim3A_64 = arith.constant 0.000000e+00 : f32
      %broadcast_in_dim3A_65 = vector.broadcast %broadcast_in_dim3A_64 : f32 to vector<16xf32>
      %mul3A_66 = arith.constant 16 : i32
      %mul3A_67 = arith.muli %scan3A_63, %mul3A_66 : i32
      %swap3A_68 = arith.index_cast %mul3A_67 : i32 to index
      %swap3A_69 = tpu.vector_load %arg6[%swap3A_68] {strides = array<i32>} : memref<640xf32, #tpu.memory_space<vmem>>, vector<16xf32>,
      %swap3A_70 = vector.shape_cast %swap3A_69 : vector<16xf32> to vector<16xf32>
      %swap3A_71 = vector.shape_cast %broadcast_in_dim3A_65 : vector<16xf32> to vector<16xf32>
      tpu.vector_store %arg6[%swap3A_68], %swap3A_71 {strides = array<i32>} : memref<640xf32, #tpu.memory_space<vmem>>, vector<16xf32>,
      %scan3A_72 = arith.constant 0 : i32
      scf.yield %scan3A_72 : i32
    }
    %scan3A_13 = arith.constant 40 : i32
    %mul3A_14 = arith.constant 640 : i32
    %mul3A_15 = arith.muli %arg1, %mul3A_14 : i32
    "tpu.region"() ({
      %run_scoped3A = tpu.sem_alloc : memref<!tpu.dma_semaphore, #tpu.memory_space<semaphore_mem>>
      %dma_start3A = tpu.memref_slice %arg7[%mul3A_15] : memref<10240xf32, #tpu.memory_space<vmem_shared>> -> memref<640xf32, #tpu.memory_space<vmem_shared>>
      %dma_start3A_31 = tpu.memref_slice %arg7[%mul3A_15] : memref<10240xf32, #tpu.memory_space<vmem_shared>> -> memref<640xf32, #tpu.memory_space<vmem_shared>>
      tpu.enqueue_dma source(%arg6 : memref<640xf32, #tpu.memory_space<vmem>>) target(%dma_start3A_31 : memref<640xf32, #tpu.memory_space<vmem_shared>>) target_semaphore(%run_scoped3A : memref<!tpu.dma_semaphore, #tpu.memory_space<semaphore_mem>>)
      %dma_wait3A = tpu.memref_slice %arg7[%mul3A_15] : memref<10240xf32, #tpu.memory_space<vmem_shared>> -> memref<640xf32, #tpu.memory_space<vmem_shared>>
      %dma_wait3A_32 = tpu.memref_slice %arg7[%mul3A_15] : memref<10240xf32, #tpu.memory_space<vmem_shared>> -> memref<640xf32, #tpu.memory_space<vmem_shared>>
      tpu.wait_dma2 semaphore(%run_scoped3A : memref<!tpu.dma_semaphore, #tpu.memory_space<semaphore_mem>>) src(%arg6 : memref<640xf32, #tpu.memory_space<vmem>>) dst(%dma_wait3A_32 : memref<640xf32, #tpu.memory_space<vmem_shared>>)
      tpu.yield
    }) : () -> ()
    %barrier3A = arith.constant 0 : index
    tpu.barrier barrier_id(%barrier3A)
    %scan3A_16 = arith.constant 0 : i32
    %scan3A_17 = arith.constant 0 : i32
    %scan3A_18 = arith.constant 125 : i32
    %scan3A_19 = arith.addi %scan3A_17, %scan3A_18 : i32
    %scan3A_20 = arith.constant 1 : i32
    %scan3A_21 = scf.for %scan3A_31 = %scan3A_17 to %scan3A_19 step %scan3A_20 iter_args(%scan3A_32 = %scan3A_16) -> (i32)  : i32 {
      "tpu.region"() ({
        %run_scoped3A = tpu.sem_alloc : memref<!tpu.dma_semaphore, #tpu.memory_space<semaphore_mem>>
        %dma_start3A = arith.constant 0 : i32
        %dma_start3A_34 = tpu.memref_slice %arg4[%scan3A_31, %dma_start3A] : memref<125x80xi32, #tpu.memory_space<vmem>> -> memref<1x80xi32, #tpu.memory_space<vmem>>
        %dma_start3A_35 = tpu.memref_squeeze %dma_start3A_34 : memref<1x80xi32, #tpu.memory_space<vmem>> -> memref<80xi32, #tpu.memory_space<vmem>>
        %dma_start3A_36 = arith.constant 0 : i32
        %dma_start3A_37 = tpu.memref_slice %arg7[%dma_start3A_36] : memref<10240xf32, #tpu.memory_space<vmem_shared>> -> memref<10240xf32, #tpu.memory_space<vmem_shared>>
        tpu.enqueue_indirect_dma source(%arg5 : memref<80xf32, #tpu.memory_space<vmem>>) target(%dma_start3A_37 : memref<10240xf32, #tpu.memory_space<vmem_shared>>) offsets(%dma_start3A_35 : memref<80xi32, #tpu.memory_space<vmem>>) semaphore(%run_scoped3A : memref<!tpu.dma_semaphore, #tpu.memory_space<semaphore_mem>>) {add = true}
        %dma_wait3A = arith.constant 0 : i32
        %dma_wait3A_38 = tpu.memref_slice %arg4[%scan3A_31, %dma_wait3A] : memref<125x80xi32, #tpu.memory_space<vmem>> -> memref<1x80xi32, #tpu.memory_space<vmem>>
        %dma_wait3A_39 = tpu.memref_squeeze %dma_wait3A_38 : memref<1x80xi32, #tpu.memory_space<vmem>> -> memref<80xi32, #tpu.memory_space<vmem>>
        %dma_wait3A_40 = arith.constant 0 : i32
        %dma_wait3A_41 = tpu.memref_slice %arg7[%dma_wait3A_40] : memref<10240xf32, #tpu.memory_space<vmem_shared>> -> memref<10240xf32, #tpu.memory_space<vmem_shared>>
        tpu.wait_indirect_dma semaphore(%run_scoped3A : memref<!tpu.dma_semaphore, #tpu.memory_space<semaphore_mem>>) src(%arg5 : memref<80xf32, #tpu.memory_space<vmem>>) dst(%dma_wait3A_41 : memref<10240xf32, #tpu.memory_space<vmem_shared>>)
        tpu.yield
      }) : () -> ()
      %scan3A_33 = arith.constant 0 : i32
      scf.yield %scan3A_33 : i32
    }
    %scan3A_22 = arith.constant 125 : i32
    %barrier3A_23 = arith.constant 0 : index
    tpu.barrier barrier_id(%barrier3A_23)
    %mul3A_24 = arith.constant 640 : i32
    %mul3A_25 = arith.muli %arg1, %mul3A_24 : i32
    %mul3A_26 = arith.constant 10240 : i32
    %mul3A_27 = arith.muli %arg0, %mul3A_26 : i32
    %mul3A_28 = arith.constant 640 : i32
    %mul3A_29 = arith.muli %arg1, %mul3A_28 : i32
    %add3A_30 = arith.addi %mul3A_27, %mul3A_29 : i32
    "tpu.region"() ({
      %run_scoped3A = tpu.sem_alloc : memref<!tpu.dma_semaphore, #tpu.memory_space<semaphore_mem>>
      %dma_start3A = tpu.memref_slice %arg3[%add3A_30] : memref<20480xf32, #tpu.memory_space<hbm>> -> memref<640xf32, #tpu.memory_space<hbm>>
      %dma_start3A_31 = tpu.memref_slice %arg7[%mul3A_25] : memref<10240xf32, #tpu.memory_space<vmem_shared>> -> memref<640xf32, #tpu.memory_space<vmem_shared>>
      tpu.enqueue_dma source(%dma_start3A_31 : memref<640xf32, #tpu.memory_space<vmem_shared>>) target(%dma_start3A : memref<640xf32, #tpu.memory_space<hbm>>) target_semaphore(%run_scoped3A : memref<!tpu.dma_semaphore, #tpu.memory_space<semaphore_mem>>)
      %dma_wait3A = tpu.memref_slice %arg3[%add3A_30] : memref<20480xf32, #tpu.memory_space<hbm>> -> memref<640xf32, #tpu.memory_space<hbm>>
      %dma_wait3A_32 = tpu.memref_slice %arg7[%mul3A_25] : memref<10240xf32, #tpu.memory_space<vmem_shared>> -> memref<640xf32, #tpu.memory_space<vmem_shared>>
      tpu.wait_dma2 semaphore(%run_scoped3A : memref<!tpu.dma_semaphore, #tpu.memory_space<semaphore_mem>>) src(%dma_wait3A_32 : memref<640xf32, #tpu.memory_space<vmem_shared>>) dst(%dma_wait3A : memref<640xf32, #tpu.memory_space<hbm>>)
      tpu.yield
    }) : () -> ()
    return
  }
}

</mosaic_0001>

<sc_bundles>
// kernel: _sc_degree.3.cloned.1.call-start
scs
__scs_entry_jumppad:
0x0: {  	(pc) =	sbr.rel $0x88, $3  }
0x1: {  	(tag) =	ssettag $0x0;
	lr =	simm.s32 $0x1  }
0x2: {  	[smem:$0x3FA0] =	sst lr;
	_ =	strace $0xD0000000  }
0x3: {  	_ = 	snop  }
0x4: {  	_ = 	snop  }
0x5: {  	_ = 	snop  }
0x6: {  	_ = 	snop  }
0x7: {  	_ = 	snop  }
__scs_overlays_trampoline_lowered:
0x8: {  	[smem:$0x3FAF] =	sst s0  }
0x9: {  	[smem:$0x3FB0] =	sst s1  }
0xa: {  	[smem:$0x3FB1] =	sst s2  }
0xb: {  	[smem:$0x3FB2] =	sst s3  }
0xc: {  	[smem:$0x3FB3] =	sst s4  }
0xd: {  	[smem:$0x3FB4] =	sst s5  }
0xe: {  	[smem:$0x3FB5] =	sst s6  }
0xf: {  	[smem:$0x3FB6] =	sst s7  }
0x10: {  	[smem:$0x3FB7] =	sst s8  }
0x11: {  	[smem:$0x3FB8] =	sst s9;
	s0 =	simm.s32 @!p0 $0x0  }
0x12: {  	s1 =	sld [smem:$0x3F9E];
	s0 =	simm.s32 @p0 $0x1  }
0x13: {  	[smem:$0x3FB9] =	sst s0;
	s0 =	simm.s32 @!p1 $0x0  }
0x14: {  	s2 =	sld [smem:$0x3F9D];
	s0 =	simm.s32 @p1 $0x1  }
0x15: {  	[smem:$0x3FBA] =	sst s0;
	s0 =	simm.s32 @!p2 $0x0  }
0x16: {  	s3 =	sld [smem:$0x3FDB];
	s0 =	simm.s32 @p2 $0x1  }
0x17: {  	s4 =	simm.s32 $0x1BF5;
	[smem:$0x3FBC] =	sst s0  }
0x18: {  	s0 =	sld [smem:$0x3F9F];
	_ =	swait.ge [sflag:s4], $0x0  }
0x19: {  	s7 =	sld [smem:$0x3FA0]  }
0x1a: {  	s8 =	sadd.s32 $0xFFFFE003, lr  }
0x1b: {  	s9 =	sadd.s32 $0xFFFFFEF7, lr;
	s5 =	simm.s32 $0xFFFFFFFF;
	p2 =	slt.u32 s8, $0xFFFFF086  }
0x1c: {  	p1 =	slt.u32 s9, $0xF7A;
	s5 =	simm.s32 @!p2 $0x0  }
0x1d: {  	s5 =	simm.s32 @p1 $0x1;
	p0 =	seq.s32 s7, s2  }
0x1e: {  	s7 =	smul.u32 @!p0 $0xF7A, s2;
	p2 =	seq.s32 @!p0 s5, $0x0  }
0x1f: {  	s9 =	smul.u32 $0xF7A, s1;
	s8 =	simm.s32 @!p0 $0x1BF5;
	p2 =	por !p2, p0  }
0x20: {  	[sflag:s8] =	ssyncset.s32 @!p0 $0xFFFFF086;
	s6 =	sadd.s32 @!p0 s3, s7;
	s7 =	simm.s32 @!p0 $0x108  }
0x21: {  	s3 =	sadd.s32 s3, s9;
	s6 =	sadd.s32 @!p0 $0x88, s6;
	s7 =	simm.s32 @p2 $0x1082  }
0x22: {  	[simem:s7], [sflag:s8] =	dma.local @!p0 [hbm:s6], $0xF7A  }
0x23: {  	s9 =	sor.u32 $0xD0000000, s2;
	s6 =	simm.s32 $0x108;
	_ =	swait.ge @!p0 [sflag:s8], $0x0  }
0x24: {  	s3 =	sadd.s32 $0x88, s3;
	s6 =	simm.s32 @!p1 $0x1082;
	[sflag:s4] =	ssyncset.s32 $0xFFFFF086  }
0x25: {  	[simem:s6], [sflag:s4] =	dma.local [hbm:s3], $0xF7A  }
0x26: {  	[smem:$0x3FA0] =	sst s1;
	(tag) =	ssettag s2;
	_ =	strace s9  }
0x27: {  	s1 =	sld [smem:$0x3FB0]  }
0x28: {  	s2 =	sld [smem:$0x3FB1]  }
0x29: {  	s4 =	sld [smem:$0x3FB3]  }
0x2a: {  	p0 =	seq.s32 s5, $0x0;
	s5 =	sld [smem:$0x3FB4]  }
0x2b: {  	s6 =	sld [smem:$0x3FB5]  }
0x2c: {  	s7 =	sld [smem:$0x3FB6]  }
0x2d: {  	s3 =	simm.s32 $0x108;
	s8 =	sld [smem:$0x3FB7]  }
0x2e: {  	s3 =	simm.s32 @!p0 $0x1082;
	s9 =	sld [smem:$0x3FB8]  }
0x2f: {  	lr =	sadd.s32 s0, s3;
	s0 =	sld [smem:$0x3FAF]  }
0x30: {  	s3 =	sld [smem:$0x3FB2]  }
0x31: {  	[smem:$0x3FBB] =	sst s10  }
0x32: {  	s10 =	sld [smem:$0x3FB9];
	_ =	sdelay $0x3  }
0x33: {  	p0 =	seq.s32 s10, $0x1;
	s10 =	sld [smem:$0x3FBB];
	_ =	sdelay $0x3  }
0x34: {  	[smem:$0x3FBB] =	sst s10  }
0x35: {  	s10 =	sld [smem:$0x3FBA];
	_ =	sdelay $0x3  }
0x36: {  	p1 =	seq.s32 s10, $0x1;
	s10 =	sld [smem:$0x3FBB];
	_ =	sdelay $0x3  }
0x37: {  	[smem:$0x3FBB] =	sst s10  }
0x38: {  	s10 =	sld [smem:$0x3FBC]  }
0x39: {  	_ = 	snop;
	(pc) =	sbr.ind lr, $3  }
0x3a: {  	_ = 	snop  }
0x3b: {  	_ = 	snop  }
0x3c: {  	p2 =	seq.s32 s10, $0x1;
	s10 =	sld [smem:$0x3FBB]  }
0x3d: {  	_ =	shalt  }
0x3e: {  	_ =	shalt  }
0x3f: {  	_ =	shalt  }
0x40: {  	_ =	shalt  }
0x41: {  	_ =	shalt  }
0x42: {  	_ =	shalt  }
0x43: {  	_ =	shalt  }
0x44: {  	_ =	shalt  }
0x45: {  	_ =	shalt  }
0x46: {  	_ =	shalt  }
0x47: {  	_ =	shalt  }
0x48: {  	_ =	shalt  }
0x49: {  	_ =	shalt  }
0x4a: {  	_ =	shalt  }
0x4b: {  	_ =	shalt  }
0x4c: {  	_ =	shalt  }
0x4d: {  	_ =	shalt  }
0x4e: {  	_ =	shalt  }
0x4f: {  	_ =	shalt  }
0x50: {  	_ =	shalt  }
0x51: {  	_ =	shalt  }
0x52: {  	_ =	shalt  }
0x53: {  	_ =	shalt  }
0x54: {  	_ =	shalt  }
0x55: {  	_ =	shalt  }
0x56: {  	_ =	shalt  }
0x57: {  	_ =	shalt  }
0x58: {  	_ =	shalt  }
0x59: {  	_ =	shalt  }
0x5a: {  	_ =	shalt  }
0x5b: {  	_ =	shalt  }
0x5c: {  	_ =	shalt  }
0x5d: {  	_ =	shalt  }
0x5e: {  	_ =	shalt  }
0x5f: {  	_ =	shalt  }
0x60: {  	_ =	shalt  }
0x61: {  	_ =	shalt  }
0x62: {  	_ =	shalt  }
0x63: {  	_ =	shalt  }
0x64: {  	_ =	shalt  }
0x65: {  	_ =	shalt  }
0x66: {  	_ =	shalt  }
0x67: {  	_ =	shalt  }
0x68: {  	_ =	shalt  }
0x69: {  	_ =	shalt  }
0x6a: {  	_ =	shalt  }
0x6b: {  	_ =	shalt  }
0x6c: {  	_ =	shalt  }
0x6d: {  	_ =	shalt  }
0x6e: {  	_ =	shalt  }
0x6f: {  	_ =	shalt  }
0x70: {  	_ =	shalt  }
0x71: {  	_ =	shalt  }
0x72: {  	_ =	shalt  }
0x73: {  	_ =	shalt  }
0x74: {  	_ =	shalt  }
0x75: {  	_ =	shalt  }
0x76: {  	_ =	shalt  }
0x77: {  	_ =	shalt  }
0x78: {  	_ =	shalt  }
0x79: {  	_ =	shalt  }
0x7a: {  	_ =	shalt  }
0x7b: {  	_ =	shalt  }
0x7c: {  	_ =	shalt  }
0x7d: {  	_ =	shalt  }
0x7e: {  	_ =	shalt  }
0x7f: {  	_ =	shalt  }
0x80: {  	_ =	shalt  }
0x81: {  	_ =	shalt  }
0x82: {  	_ =	shalt  }
0x83: {  	_ =	shalt  }
0x84: {  	_ =	shalt  }
0x85: {  	_ =	shalt  }
0x86: {  	_ =	shalt  }
0x87: {  	_ =	shalt  }
.Lfunc_end0:
.L_simem_size_0:
called_computation_lowered:
.L_overlay_start_0:
0x88: {  	s2 =	sld [smem:$0x3FD9]  }
0x89: {  	s3 =	sld [smem:$0x3FFE];
	_ =	sdelay $0x1  }
0x8a: {  	s1 =	srdreg.scid  }
0x8b: {  	s0 =	sand.u32 $0x1, s1  }
0x8c: {  	s17 =	sshll.u32 s0, $0xA;
	s2 =	sadd.s32 s3, s2  }
0x8d: {  	s2 =	sadd.s32 s2, s17  }
0x8e: {  	[smem:$0x3FC7] =	sst s2  }
0x8f: {  	_ = 	snop  }
0x90: {  	s2 =	sld [smem:$0x3FD0];
	(tm) =	ssettm $0x1  }
0x91: {  	s18 =	sld [smem:$0x3FFB];
	_ =	sdelay $0x3  }
0x92: {  	_ =	strace s18  }
0x93: {  	s3 =	sld [smem:$0x3FFC];
	_ =	sdelay $0x3  }
0x94: {  	_ =	strace s3  }
0x95: {  	s3 =	sld [smem:$0x3FFD];
	_ =	sdelay $0x3  }
0x96: {  	_ =	strace s3  }
0x97: {  	_ =	strace $0x8FFFFFFF  }
0x98: {  	s19 =	sld [smem:$0x3FDB];
	_ =	sdelay $0x1  }
0x99: {  	s4 =	simm.s32 $_scs_section_size  }
0x9a: {  	s5 =	simm.s32 $_size__tile_overlayer_lowered;
	s6 =	simm.s32 $_tile_overlayer_lowered  }
0x9b: {  	s22 =	simm.s32 $0x1BFF;
	s21 =	sshll.u32 s6, $0x1;
	s3 =	sadd.s32 s4, s19  }
0x9c: {  	s7 =	simm.s32 $0x0;
	s20 =	sshll.u32 s5, $0x1;
	s5 =	sadd.s32 s21, s3  }
0x9d: {  	[timem:s7], [sflag:s22] =	dma.local [hbm:s5], s20  }
0x9e: {  	_ =	swait.ge [sflag:s22], s20  }
0x9f: {  	s4 =	ssub.s32 $0x0, s20;
	[sflag:s22] =	ssyncset.done $0x0  }
0xa0: {  	[sflag:s22] =	ssyncadd.s32 s4;
	_ =	sdelay $0x1  }
0xa1: {  	s23 =	simm.s32 $0x1B8B  }
0xa2: {  	_ =	swait.ge [sflag:s23], $0x1  }
0xa3: {  	[sflag:s23] =	ssyncset.done $0x0  }
0xa4: {  	s25 =	simm.s32 $0x1B8E;
	s24 =	sld [smem:$0x3FFE];
	[sflag:s23] =	ssyncadd.s32 $0xFFFFFFFF  }
0xa5: {  	s26 =	simm.s32 $execute0_lowered;
	[smem:$0x3FD2] =	sst s25  }
0xa6: {  	s5 =	sshll.u32 s26, $0x1;
	_ =	strace $0x80000046;
	[dreg:$0x1] =	wrdreg $0xFFFFFFFF  }
0xa7: {  	s28 =	simm.s32 $_size_execute0_lowered;
	s3 =	sadd.s32 s3, s5;
	[dreg:$0x0] =	wrdreg $0x0  }
0xa8: {  	s5 =	sshll.u32 s28, $0x1;
	[dreg:$0x2] =	wrdreg s3  }
0xa9: {  	[dreg:$0x3] =	wrdreg s5  }
0xaa: {  	[dreg:$0x4] =	wrdreg $0xC0  }
0xab: {  	_ =	task [dreg:s7], $0x5FFFF  }
0xac: {  	[dreg:$0x1] =	wrdreg $0xFFFFFFFF  }
0xad: {  	[dreg:$0x0] =	wrdreg $0x60  }
0xae: {  	[dreg:$0x2] =	wrdreg s24  }
0xaf: {  	[dreg:$0x3] =	wrdreg s2  }
0xb0: {  	[dreg:$0x4] =	wrdreg $0x43000  }
0xb1: {  	[dreg:$0x5] =	wrdreg $0x9  }
0xb2: {  	_ =	task.clear_ibuf [dreg:s7], $0x6FFFF;
	_ =	strace $0x90000046  }
0xb3: {  	s29 =	simm.s32 $0x9;
	_ =	strace $0x80000048  }
0xb4: {  	_ =	swait.ge [sflag:s29], $0x1  }
0xb5: {  	[sflag:s29] =	ssyncadd.s32 $0xFFFFFFFF  }
0xb6: {  	_ =	strace $0x90000048  }
0xb7: {  	_ =	sfence  }
0xb8: {  	s30 =	sld [smem:$0x0];
	_ =	sdelay $0x2  }
0xb9: {  	s31 =	sshll.u32 s1, $0xD;
	s1 =	sshrl.u32 s1, $0x2  }
0xba: {  	s3 =	sand.u32 $0x4000, s31;
	s1 =	sadd.s32 s1, s30  }
0xbb: {  	s0 =	sor.u32 s3, s0;
	s1 =	sshll.u32 s1, $0x11  }
0xbc: {  	s0 =	sor.u32 s1, s0  }
0xbd: {  	s0 =	sadd.s32 $0x8F2B, s0  }
0xbe: {  	[sflag:s0] =	ssyncadd.remote.s32 $0x1  }
0xbf: {  	_ =	sfence.sel $0xFFFF  }
0xc0: {  	[dreg:$0x0] =	wrdreg $0xFFFFFFFF;
	(pc) =	sbr.abs _section_cstart, $3  }
0xc1: {  	[dreg:$0x1] =	wrdreg $0xFFFFFFFF  }
0xc2: {  	_ =	task.clear_ibuf [dreg:s7], $0x2FFFF;
	_ =	strace $0x9FFFFFFF  }
0xc3: {  	(tm) =	ssettm $0x7FFFFFFF  }
tec
execute0_lowered:
.L_overlay_start_1:
0x0: {  	(tag) =	ssettag $0x1  }
0x1: {  	s4 =	rddreg [dreg:$0x0]  }
0x2: {  	s6 =	rddreg [dreg:$0x1]  }
0x3: {  	s2 =	rddreg [dreg:$0x2]  }
0x4: {  	s0 =	rddreg [dreg:$0x3]  }
0x5: {  	s1 =	stileid.u32;
	s5 =	srdreg.scid  }
0x6: {  	s3 =	simm.s32 $0x0;
	s11 =	simm.s32 $0x4000;
	s14 =	simm.s32 $0x0  }
0x7: {  	s5 =	sand.u32 $0x1, s5;
	s7 =	smul.u32 $0x280, s1;
	[smem:$0x7FF] =	sst s3  }
0x8: {  	s8 =	sshll.u32 s1, $0xB;
	s12 =	sshll.u32 s1, $0x6;
	s9 =	smul.u32 $0x2800, s5  }
0x9: {  	_ =	strace $0x80000047;
	s4 =	sadd.s32 s8, s4;
	s31 =	ssub.s32 $0x2, s5  }
0xa: {  	s5 =	sshll.u32 s5, $0xF;
	s12 =	sor.u32 $0x1C01, s12;
	s10 =	sshrl.u32 s31, $0x1  }
0xb: {  	s4 =	sadd.s32 s5, s4;
	s5 =	sadd.s32 s7, s2;
	s9 =	sadd.s32 s7, s9  }
0xc: {  	s8 =	ssub.s32 s31, s10;
	s4 =	sadd.s32 $0x400, s4;
	s10 =	simm.s32 $0x50  }
0xd: {  	s13 =	sshrl.u32 s5, $0x3;
	s9 =	sshrl.u32 s9, $0x3;
	s7 =	smax.u32 s8, $0x1  }
0xe: {  	v0 =	vimm.f32 $1.000000000e+00;
	v1 =	vimm.f32 $0.0e+00;
	s8 =	simm.s32 $0x1;
	s6 =	sadd.s32 s6, s9;
	s9 =	simm.s32 $0x4080  }
.LBB2_1:
0xf: {  	[tilespmem:s3], [sflag:$0x1] =	stream.linear.gather [hbm4b:s4+s3], $0x3E80, $0x38;
	[tilespmem:$0x4580] =	vst v63  }
0x10: {  	_ =	swait.ge [sflag:s8], $0x3E80  }
0x11: {  	[sflag:s8] =	ssyncset.done $0x0  }
0x12: {  	[sflag:s8] =	ssyncadd.s32 $0xFFFFC180  }
0x13: {  	[tilespmem:$0x4000] =	vst v0  }
0x14: {  	[tilespmem:$0x4010] =	vst v0  }
0x15: {  	[tilespmem:$0x4020] =	vst v0  }
0x16: {  	[tilespmem:$0x4030] =	vst v0  }
0x17: {  	[tilespmem:$0x4040] =	vst v0  }
0x18: {  	[tilespmem:$0x4080] =	vst v1  }
0x19: {  	[tilespmem:$0x4090] =	vst v1  }
0x1a: {  	[tilespmem:$0x40A0] =	vst v1  }
0x1b: {  	[tilespmem:$0x40B0] =	vst v1  }
0x1c: {  	[tilespmem:$0x40C0] =	vst v1  }
0x1d: {  	[tilespmem:$0x40D0] =	vst v1  }
0x1e: {  	[tilespmem:$0x40E0] =	vst v1  }
0x1f: {  	[tilespmem:$0x40F0] =	vst v1  }
0x20: {  	[tilespmem:$0x4100] =	vst v1  }
0x21: {  	[tilespmem:$0x4110] =	vst v1  }
0x22: {  	[tilespmem:$0x4120] =	vst v1  }
0x23: {  	[tilespmem:$0x4130] =	vst v1  }
0x24: {  	[tilespmem:$0x4140] =	vst v1  }
0x25: {  	[tilespmem:$0x4150] =	vst v1  }
0x26: {  	[tilespmem:$0x4160] =	vst v1  }
0x27: {  	[tilespmem:$0x4170] =	vst v1  }
0x28: {  	[tilespmem:$0x4180] =	vst v1  }
0x29: {  	[tilespmem:$0x4190] =	vst v1  }
0x2a: {  	[tilespmem:$0x41A0] =	vst v1  }
0x2b: {  	[tilespmem:$0x41B0] =	vst v1  }
0x2c: {  	[tilespmem:$0x41C0] =	vst v1  }
0x2d: {  	[tilespmem:$0x41D0] =	vst v1  }
0x2e: {  	[tilespmem:$0x41E0] =	vst v1  }
0x2f: {  	[tilespmem:$0x41F0] =	vst v1  }
0x30: {  	[tilespmem:$0x4200] =	vst v1  }
0x31: {  	[tilespmem:$0x4210] =	vst v1  }
0x32: {  	[tilespmem:$0x4220] =	vst v1  }
0x33: {  	[tilespmem:$0x4230] =	vst v1  }
0x34: {  	[tilespmem:$0x4240] =	vst v1  }
0x35: {  	[tilespmem:$0x4250] =	vst v1  }
0x36: {  	[tilespmem:$0x4260] =	vst v1  }
0x37: {  	[tilespmem:$0x4270] =	vst v1  }
0x38: {  	[tilespmem:$0x4280] =	vst v1  }
0x39: {  	[tilespmem:$0x4290] =	vst v1  }
0x3a: {  	[tilespmem:$0x42A0] =	vst v1  }
0x3b: {  	[tilespmem:$0x42B0] =	vst v1  }
0x3c: {  	[tilespmem:$0x42C0] =	vst v1  }
0x3d: {  	[tilespmem:$0x42D0] =	vst v1  }
0x3e: {  	[tilespmem:$0x42E0] =	vst v1  }
0x3f: {  	[tilespmem:$0x42F0] =	vst v1  }
0x40: {  	[spmem:s5] =	stream.linear.scatter [tilespmem:s9], [sflag:$0x1], $0x280, $0x38;
	[tilespmem:$0x4580] =	vst v63  }
0x41: {  	_ =	swait.ge [sflag:s8], $0x280  }
0x42: {  	[sflag:s8] =	ssyncset.done $0x0  }
0x43: {  	[sflag:s8] =	ssyncadd.s32 $0xFFFFFD80  }
0x44: {  	s15 =	simm.s32 $0x0;
	[bflag:$0x0] =	sbarrier.arrive $0xFFFF  }
0x45: {  	[spmem:s2] =	stream.indirect.scatter.add.f32 [tilespmem:s11], [sflag:$0x1], $0x1, s15, s10, $0xb8;
	[tilespmem:$0x4580] =	vst v63  }
0x46: {  	_ =	swait.ge [sflag:s8], $0x50  }
0x47: {  	s15 =	simm.s32 $0x200;
	[sflag:s8] =	ssyncset.done $0x0  }
.LBB2_2:
0x48: {  	s16 =	sshra.s32 s15, $0x2;
	[sflag:s8] =	ssyncadd.s32 $0xFFFFFFB0;
	p0 =	sne.s32 s15, $0xF800  }
0x49: {  	[spmem:s2] =	stream.indirect.scatter.add.f32 [tilespmem:s11], [sflag:$0x1], $0x1, s16, s10, $0xb8;
	[tilespmem:$0x4580] =	vst v63  }
.Ltmp0:
0x4a: {  	_ = 	snop;
	(pc) =	sbr.rel @p0 .LBB2_2-.Ltmp0, $4  }
0x4b: {  	_ = 	snop  }
0x4c: {  	s15 =	sadd.s32 $0x200, s15  }
0x4d: {  	_ =	swait.ge [sflag:s8], $0x50  }
0x4e: {  	[sflag:s8] =	ssyncset.done $0x0  }
0x4f: {  	s14 =	sadd.s32 $0x1, s14  }
0x50: {  	[sflag:s8] =	ssyncadd.s32 $0xFFFFFFB0;
	p0 =	sne.s32 s14, s7  }
.Ltmp1:
0x51: {  	[bflag:$0x0] =	sbarrier.arrive $0xFFFF;
	(pc) =	sbr.rel @p0 .LBB2_1-.Ltmp1, $4  }
0x52: {  	[hbm:s6], [sflag:s12] =	dma.local [spmem:s13], $0x50  }
0x53: {  	_ =	swait.ge [sflag:s8], $0x50  }
0x54: {  	[sflag:s8] =	ssyncset.done $0x0  }
0x55: {  	[sflag:s8] =	ssyncadd.s32 $0xFFFFFFB0  }
0x56: {  	_ =	sfence.sel $0x180000  }
0x57: {  	[bflag:$0x0] =	sbarrier.arrive $0xFFFF  }
0x58: {  	p0 =	sne.s32 s1, $0x0;
	_ =	strace $0x90000047  }
0x59: {  	s0 =	sadd.s32 @!p0 $0x100000, s0;
	[bflag:$0x2] =	sbarrier.arrive $0xFFFF  }
0x5a: {  	[sflag:s0] =	ssyncadd.tile.s32 @!p0 $0x1;
	_ =	shalt  }
.Lfunc_end2:
_tile_overlayer_lowered:
.L_overlay_start_2:
0x5b: {  	(tag) =	ssettag $0x2  }
0x5c: {  	s0 =	rddreg [dreg:$0x0];
	s2 =	stileid.u32  }
0x5d: {  	s1 =	rddreg [dreg:$0x1];
	p0 =	sne.s32 s2, $0x0  }
0x5e: {  	s3 =	rddreg [dreg:$0x2];
	[bflag:$0x3] =	sbarrier.arrive $0xFFFF;
	s2 =	simm.s32 @!p0 $0x1C01  }
0x5f: {  	[timem:s3], [sflag:s2] =	dma.local @!p0 [hbm:s0], s1  }
0x60: {  	s0 =	simm.s32 @!p0 $0x1  }
0x61: {  	_ =	swait.ge @!p0 [sflag:s0], s1  }
0x62: {  	s1 =	ssub.s32 @!p0 $0x0, s1;
	[sflag:s0] =	ssyncset.done @!p0 $0x0  }
0x63: {  	[sflag:s0] =	ssyncadd.s32 @!p0 s1  }
0x64: {  	[bflag:$0x3] =	sbarrier.arrive $0xFFFF  }
0x65: {  	_ =	shalt  }

</sc_bundles>
